<compile_context>
chip_gen: v7x
topology: tpu7x:2x2x1
jax: 0.10.2.dev20260603
libtpu: 0.0.44.dev20260713+nightly
codegen_flags: <defaults>
</compile_context>

<pallas_src>
import functools

import jax
import jax.numpy as jnp
from jax import lax
from jax.experimental import pallas as pl
from jax.experimental.pallas import tpu as pltpu
from jax.experimental.pallas import tpu_sc as plsc

_NC = 2
_NS = 16
_NW = _NC * _NS
_L = 16


def _presence_counts(row, n_nodes):
    e = row.shape[0]
    epw = e // _NW
    mesh = plsc.VectorSubcoreMesh(core_axis_name="c", subcore_axis_name="s")

    @functools.partial(
        pl.kernel,
        out_type=jax.ShapeDtypeStruct((_NW * n_nodes,), jnp.float32),
        mesh=mesh,
        scratch_types=[
            pltpu.VMEM((epw,), jnp.int32),
            pltpu.VMEM((n_nodes,), jnp.float32),
        ],
        compiler_params=pltpu.CompilerParams(needs_layout_passes=False),
    )
    def sc_kernel(row_hbm, out_hbm, idx_v, mask_v):
        cid = lax.axis_index("c")
        sid = lax.axis_index("s")
        wid = sid * _NC + cid

        def zero_body(i, carry):
            mask_v[pl.ds(i * _L, _L)] = jnp.zeros((_L,), jnp.float32)
            return carry

        lax.fori_loop(0, n_nodes // _L, zero_body, 0, unroll=4)

        pltpu.sync_copy(row_hbm.at[pl.ds(wid * epw, epw)], idx_v)

        ones = jnp.ones((_L,), jnp.float32)

        def scat_body(i, carry):
            idx = idx_v[pl.ds(i * _L, _L)]
            plsc.store_scatter(mask_v, [idx], ones)
            return carry

        lax.fori_loop(0, epw // _L, scat_body, 0, unroll=4)

        pltpu.sync_copy(mask_v, out_hbm.at[pl.ds(wid * n_nodes, n_nodes)])

    return sc_kernel(row)


def _tc_body(x_ref, wl_ref, w1_ref, b1_ref, w2_ref, b2_ref, bias_ref, cnt_ref,
             o_ref):
    xb = x_ref[...]
    dn = (((1,), (1,)), ((), ()))
    xp = lax.dot_general(xb, wl_ref[...], dn,
                         preferred_element_type=jnp.float32)
    hh = lax.dot_general(xp, w1_ref[...], dn,
                         preferred_element_type=jnp.float32)
    hh = hh + b1_ref[...]
    hh = 0.5 * hh * (1.0 + lax.erf(hh * (2.0**-0.5)))
    pw = jnp.sum(hh * w2_ref[...], axis=1, keepdims=True)
    pw = jax.nn.sigmoid(pw + b2_ref[0, 0])
    present = jnp.sum(cnt_ref[...], axis=1, keepdims=True) > 0.0
    scale = jnp.where(present, 1.0 + pw, 0.0)
    o_ref[...] = xp * scale + bias_ref[...]


def kernel(x, edge_index, W_lin, att, bias, W1, b1, W2, b2):
    del att
    n, d_in = x.shape
    d_out = W_lin.shape[0]
    h = W1.shape[0]

    row = edge_index[0]
    cnt = _presence_counts(row, n)
    cnt_t = cnt.reshape(_NW, n).T

    blk = 1000
    grid = n // blk

    out = pl.pallas_call(
        _tc_body,
        grid=(grid,),
        in_specs=[
            pl.BlockSpec((blk, d_in), lambda i: (i, 0)),
            pl.BlockSpec((d_out, d_in), lambda i: (0, 0)),
            pl.BlockSpec((h, d_in), lambda i: (0, 0)),
            pl.BlockSpec((1, h), lambda i: (0, 0)),
            pl.BlockSpec((1, h), lambda i: (0, 0)),
            pl.BlockSpec((1, 1), lambda i: (0, 0)),
            pl.BlockSpec((1, d_out), lambda i: (0, 0)),
            pl.BlockSpec((blk, _NW), lambda i: (i, 0)),
        ],
        out_specs=pl.BlockSpec((blk, d_out), lambda i: (i, 0)),
        out_shape=jax.ShapeDtypeStruct((n, d_out), jnp.float32),
    )(x, W_lin, W1, b1.reshape(1, h), W2, b2.reshape(1, 1),
      bias.reshape(1, d_out), cnt_t)
    return out

# --- scband reference (transcript-rebuilt; emitter-appended) ---
"""Pipeline reference for scband-peak-preserving-attention-31361851195619 (READ-ONLY COPY).

The authoritative reference and input builder live on the scoring server;
editing this copy changes nothing except your own understanding.
"""

import jax, jax.numpy as jnp
import numpy as np

N = 10000
E = 320000
D_IN = 128
D_OUT = 128

def setup_inputs(seed: int = 0) -> dict:
    key = jax.random.key(seed)
    ks = jax.random.split(key, 8)
    x = jax.random.normal(ks[0], (N, D_IN), dtype=jnp.float32)
    edge_index = jax.random.randint(ks[1], (2, E), 0, N, dtype=jnp.int32)
    g1 = float(np.sqrt(6.0 / (D_IN + D_OUT)))
    W_lin = jax.random.uniform(ks[2], (D_OUT, D_IN), dtype=jnp.float32, minval=-g1, maxval=g1)
    g2 = float(np.sqrt(6.0 / (1 + 2 * D_OUT)))
    att = jax.random.uniform(ks[3], (1, 2 * D_OUT), dtype=jnp.float32, minval=-g2, maxval=g2)
    bias = jnp.zeros((D_OUT,), dtype=jnp.float32)
    h = D_OUT // 2
    W1 = jax.random.normal(ks[4], (h, D_IN), dtype=jnp.float32) * (1.0 / np.sqrt(D_IN))
    b1 = jnp.zeros((h,), dtype=jnp.float32)
    W2 = jax.random.normal(ks[5], (1, h), dtype=jnp.float32) * (1.0 / np.sqrt(h))
    b2 = jnp.zeros((1,), dtype=jnp.float32)
    return {"x": x, "edge_index": edge_index, "W_lin": W_lin, "att": att, "bias": bias, "W1": W1, "b1": b1, "W2": W2, "b2": b2}

def reference(x, edge_index, W_lin, att, bias, W1, b1, W2, b2):
    # x = self.lin(x)
    xp = x @ W_lin.T
    # peak_weights = self.peak_detector(x)  (applied to post-lin x, in==out)
    h = jax.nn.gelu(xp @ W1.T + b1, approximate=False)
    peak_weights = jax.nn.sigmoid(h @ W2.T + b2)  # [N, 1]
    row = edge_index[0]
    col = edge_index[1]
    src = xp[row]
    dst = xp[col]
    alpha = jnp.concatenate([src, dst], axis=1)
    alpha = (alpha * att).sum(axis=-1)
    alpha = jax.nn.leaky_relu(alpha, negative_slope=0.2)
    # segment softmax over `row` (dst-grouped in this module's convention)
    n = xp.shape[0]
    m = jax.ops.segment_max(alpha, row, num_segments=n)
    ex = jnp.exp(alpha - m[row])
    s = jax.ops.segment_sum(ex, row, num_segments=n)
    alpha = ex / s[row]
    # dropout: identity in eval mode
    out = jax.ops.segment_sum(src * alpha[:, None], row, num_segments=n)
    out = out * (1.0 + peak_weights)
    out = out + bias
    return out

if __name__ == "__main__":
    import jax
    _d = setup_inputs()
    print(jax.jit(kernel)(*tuple(_d.values())))

</pallas_src>

<mosaic_0001>
#map = affine_map<(d0, d1) -> (0)>
module attributes {stable_mosaic.version = 14 : i64} {
  func.func @sc_kernel(%arg0: i32, %arg1: i32, %arg2: memref<320000xi32, #tpu.memory_space<hbm>>, %arg3: memref<320000xf32, #tpu.memory_space<hbm>>, %arg4: memref<10000xi32, #tpu.memory_space<vmem>>, %arg5: memref<10000xf32, #tpu.memory_space<vmem>>) attributes {dimension_semantics = [#tpu.dimension_semantics<core_parallel>, #tpu.dimension_semantics<subcore_parallel>], iteration_bounds = array<i64: 2, 16>, scalar_prefetch = 0 : i64, scratch_operands = 2 : i64, tpu.core_type = #tpu.core_type<sc_vector_subcore>, window_params = [{transform_indices = #map}, {transform_indices = #map}]} {
    %mul3A = arith.constant 2 : i32
    %mul3A_0 = arith.muli %arg1, %mul3A : i32
    %add3A = arith.addi %mul3A_0, %arg0 : i32
    %scan3A = arith.constant 0 : i32
    %scan3A_1 = arith.constant 0 : i32
    %scan3A_2 = arith.constant 624 : i32
    %scan3A_3 = arith.addi %scan3A_1, %scan3A_2 : i32
    %scan3A_4 = arith.constant 4 : i32
    scf.for %scan3A_29 = %scan3A_1 to %scan3A_3 step %scan3A_4  : i32 {
      %broadcast_in_dim3A_30 = arith.constant 0.000000e+00 : f32
      %broadcast_in_dim3A_31 = vector.broadcast %broadcast_in_dim3A_30 : f32 to vector<16xf32>
      %mul3A_32 = arith.constant 16 : i32
      %mul3A_33 = arith.muli %scan3A_29, %mul3A_32 : i32
      %swap3A_34 = arith.index_cast %mul3A_33 : i32 to index
      %swap3A_35 = tpu.vector_load %arg5[%swap3A_34] {strides = array<i32>} : memref<10000xf32, #tpu.memory_space<vmem>>, vector<16xf32>,
      tpu.vector_store %arg5[%swap3A_34], %broadcast_in_dim3A_31 {strides = array<i32>} : memref<10000xf32, #tpu.memory_space<vmem>>, vector<16xf32>,
      %scan3A_36 = arith.constant 1 : i32
      %scan3A_37 = arith.addi %scan3A_29, %scan3A_36 : i32
      %broadcast_in_dim3A_38 = arith.constant 0.000000e+00 : f32
      %broadcast_in_dim3A_39 = vector.broadcast %broadcast_in_dim3A_38 : f32 to vector<16xf32>
      %mul3A_40 = arith.constant 16 : i32
      %mul3A_41 = arith.muli %scan3A_37, %mul3A_40 : i32
      %swap3A_42 = arith.index_cast %mul3A_41 : i32 to index
      %swap3A_43 = tpu.vector_load %arg5[%swap3A_42] {strides = array<i32>} : memref<10000xf32, #tpu.memory_space<vmem>>, vector<16xf32>,
      tpu.vector_store %arg5[%swap3A_42], %broadcast_in_dim3A_39 {strides = array<i32>} : memref<10000xf32, #tpu.memory_space<vmem>>, vector<16xf32>,
      %scan3A_44 = arith.constant 2 : i32
      %scan3A_45 = arith.addi %scan3A_29, %scan3A_44 : i32
      %broadcast_in_dim3A_46 = arith.constant 0.000000e+00 : f32
      %broadcast_in_dim3A_47 = vector.broadcast %broadcast_in_dim3A_46 : f32 to vector<16xf32>
      %mul3A_48 = arith.constant 16 : i32
      %mul3A_49 = arith.muli %scan3A_45, %mul3A_48 : i32
      %swap3A_50 = arith.index_cast %mul3A_49 : i32 to index
      %swap3A_51 = tpu.vector_load %arg5[%swap3A_50] {strides = array<i32>} : memref<10000xf32, #tpu.memory_space<vmem>>, vector<16xf32>,
      tpu.vector_store %arg5[%swap3A_50], %broadcast_in_dim3A_47 {strides = array<i32>} : memref<10000xf32, #tpu.memory_space<vmem>>, vector<16xf32>,
      %scan3A_52 = arith.constant 3 : i32
      %scan3A_53 = arith.addi %scan3A_29, %scan3A_52 : i32
      %broadcast_in_dim3A_54 = arith.constant 0.000000e+00 : f32
      %broadcast_in_dim3A_55 = vector.broadcast %broadcast_in_dim3A_54 : f32 to vector<16xf32>
      %mul3A_56 = arith.constant 16 : i32
      %mul3A_57 = arith.muli %scan3A_53, %mul3A_56 : i32
      %swap3A_58 = arith.index_cast %mul3A_57 : i32 to index
      %swap3A_59 = tpu.vector_load %arg5[%swap3A_58] {strides = array<i32>} : memref<10000xf32, #tpu.memory_space<vmem>>, vector<16xf32>,
      tpu.vector_store %arg5[%swap3A_58], %broadcast_in_dim3A_55 {strides = array<i32>} : memref<10000xf32, #tpu.memory_space<vmem>>, vector<16xf32>,
    }
    %scan3A_5 = arith.constant 624 : i32
    %scan3A_6 = arith.addi %scan3A_1, %scan3A_5 : i32
    %broadcast_in_dim3A = arith.constant 0.000000e+00 : f32
    %broadcast_in_dim3A_7 = vector.broadcast %broadcast_in_dim3A : f32 to vector<16xf32>
    %mul3A_8 = arith.constant 16 : i32
    %mul3A_9 = arith.muli %scan3A_6, %mul3A_8 : i32
    %swap3A = arith.index_cast %mul3A_9 : i32 to index
    %swap3A_10 = tpu.vector_load %arg5[%swap3A] {strides = array<i32>} : memref<10000xf32, #tpu.memory_space<vmem>>, vector<16xf32>,
    tpu.vector_store %arg5[%swap3A], %broadcast_in_dim3A_7 {strides = array<i32>} : memref<10000xf32, #tpu.memory_space<vmem>>, vector<16xf32>,
    %scan3A_11 = arith.constant 625 : i32
    %mul3A_12 = arith.constant 10000 : i32
    %mul3A_13 = arith.muli %add3A, %mul3A_12 : i32
    "tpu.region"() ({
      %run_scoped3A = tpu.sem_alloc : memref<!tpu.dma_semaphore, #tpu.memory_space<semaphore_mem>>
      %dma_start3A = tpu.memref_slice %arg2[%mul3A_13] : memref<320000xi32, #tpu.memory_space<hbm>> -> memref<10000xi32, #tpu.memory_space<hbm>>
      %dma_start3A_29 = tpu.memref_slice %arg2[%mul3A_13] : memref<320000xi32, #tpu.memory_space<hbm>> -> memref<10000xi32, #tpu.memory_space<hbm>>
      tpu.enqueue_dma source(%dma_start3A_29 : memref<10000xi32, #tpu.memory_space<hbm>>) target(%arg4 : memref<10000xi32, #tpu.memory_space<vmem>>) target_semaphore(%run_scoped3A : memref<!tpu.dma_semaphore, #tpu.memory_space<semaphore_mem>>)
      %dma_wait3A = tpu.memref_slice %arg2[%mul3A_13] : memref<320000xi32, #tpu.memory_space<hbm>> -> memref<10000xi32, #tpu.memory_space<hbm>>
      %dma_wait3A_30 = tpu.memref_slice %arg2[%mul3A_13] : memref<320000xi32, #tpu.memory_space<hbm>> -> memref<10000xi32, #tpu.memory_space<hbm>>
      tpu.wait_dma2 semaphore(%run_scoped3A : memref<!tpu.dma_semaphore, #tpu.memory_space<semaphore_mem>>) src(%dma_wait3A_30 : memref<10000xi32, #tpu.memory_space<hbm>>) dst(%arg4 : memref<10000xi32, #tpu.memory_space<vmem>>)
      tpu.yield
    }) : () -> ()
    %broadcast_in_dim3A_14 = arith.constant 1.000000e+00 : f32
    %broadcast_in_dim3A_15 = vector.broadcast %broadcast_in_dim3A_14 : f32 to vector<16xf32>
    %scan3A_16 = arith.constant 0 : i32
    %scan3A_17 = arith.constant 0 : i32
    %scan3A_18 = arith.constant 624 : i32
    %scan3A_19 = arith.addi %scan3A_17, %scan3A_18 : i32
    %scan3A_20 = arith.constant 4 : i32
    scf.for %scan3A_29 = %scan3A_17 to %scan3A_19 step %scan3A_20  : i32 {
      %mul3A_30 = arith.constant 16 : i32
      %mul3A_31 = arith.muli %scan3A_29, %mul3A_30 : i32
      %get3A_32 = arith.index_cast %mul3A_31 : i32 to index
      %get3A_33 = tpu.vector_load %arg4[%get3A_32] {strides = array<i32>} : memref<10000xi32, #tpu.memory_space<vmem>>, vector<16xi32>,
      tpu.vector_store_idx %arg5[%get3A_33], %broadcast_in_dim3A_15 : memref<10000xf32, #tpu.memory_space<vmem>>[vector<16xi32>], vector<16xf32>,
      %scan3A_34 = arith.constant 1 : i32
      %scan3A_35 = arith.addi %scan3A_29, %scan3A_34 : i32
      %mul3A_36 = arith.constant 16 : i32
      %mul3A_37 = arith.muli %scan3A_35, %mul3A_36 : i32
      %get3A_38 = arith.index_cast %mul3A_37 : i32 to index
      %get3A_39 = tpu.vector_load %arg4[%get3A_38] {strides = array<i32>} : memref<10000xi32, #tpu.memory_space<vmem>>, vector<16xi32>,
      tpu.vector_store_idx %arg5[%get3A_39], %broadcast_in_dim3A_15 : memref<10000xf32, #tpu.memory_space<vmem>>[vector<16xi32>], vector<16xf32>,
      %scan3A_40 = arith.constant 2 : i32
      %scan3A_41 = arith.addi %scan3A_29, %scan3A_40 : i32
      %mul3A_42 = arith.constant 16 : i32
      %mul3A_43 = arith.muli %scan3A_41, %mul3A_42 : i32
      %get3A_44 = arith.index_cast %mul3A_43 : i32 to index
      %get3A_45 = tpu.vector_load %arg4[%get3A_44] {strides = array<i32>} : memref<10000xi32, #tpu.memory_space<vmem>>, vector<16xi32>,
      tpu.vector_store_idx %arg5[%get3A_45], %broadcast_in_dim3A_15 : memref<10000xf32, #tpu.memory_space<vmem>>[vector<16xi32>], vector<16xf32>,
      %scan3A_46 = arith.constant 3 : i32
      %scan3A_47 = arith.addi %scan3A_29, %scan3A_46 : i32
      %mul3A_48 = arith.constant 16 : i32
      %mul3A_49 = arith.muli %scan3A_47, %mul3A_48 : i32
      %get3A_50 = arith.index_cast %mul3A_49 : i32 to index
      %get3A_51 = tpu.vector_load %arg4[%get3A_50] {strides = array<i32>} : memref<10000xi32, #tpu.memory_space<vmem>>, vector<16xi32>,
      tpu.vector_store_idx %arg5[%get3A_51], %broadcast_in_dim3A_15 : memref<10000xf32, #tpu.memory_space<vmem>>[vector<16xi32>], vector<16xf32>,
    }
    %scan3A_21 = arith.constant 624 : i32
    %scan3A_22 = arith.addi %scan3A_17, %scan3A_21 : i32
    %mul3A_23 = arith.constant 16 : i32
    %mul3A_24 = arith.muli %scan3A_22, %mul3A_23 : i32
    %get3A = arith.index_cast %mul3A_24 : i32 to index
    %get3A_25 = tpu.vector_load %arg4[%get3A] {strides = array<i32>} : memref<10000xi32, #tpu.memory_space<vmem>>, vector<16xi32>,
    tpu.vector_store_idx %arg5[%get3A_25], %broadcast_in_dim3A_15 : memref<10000xf32, #tpu.memory_space<vmem>>[vector<16xi32>], vector<16xf32>,
    %scan3A_26 = arith.constant 625 : i32
    %mul3A_27 = arith.constant 10000 : i32
    %mul3A_28 = arith.muli %add3A, %mul3A_27 : i32
    "tpu.region"() ({
      %run_scoped3A = tpu.sem_alloc : memref<!tpu.dma_semaphore, #tpu.memory_space<semaphore_mem>>
      %dma_start3A = tpu.memref_slice %arg3[%mul3A_28] : memref<320000xf32, #tpu.memory_space<hbm>> -> memref<10000xf32, #tpu.memory_space<hbm>>
      %dma_start3A_29 = tpu.memref_slice %arg3[%mul3A_28] : memref<320000xf32, #tpu.memory_space<hbm>> -> memref<10000xf32, #tpu.memory_space<hbm>>
      tpu.enqueue_dma source(%arg5 : memref<10000xf32, #tpu.memory_space<vmem>>) target(%dma_start3A_29 : memref<10000xf32, #tpu.memory_space<hbm>>) target_semaphore(%run_scoped3A : memref<!tpu.dma_semaphore, #tpu.memory_space<semaphore_mem>>)
      %dma_wait3A = tpu.memref_slice %arg3[%mul3A_28] : memref<320000xf32, #tpu.memory_space<hbm>> -> memref<10000xf32, #tpu.memory_space<hbm>>
      %dma_wait3A_30 = tpu.memref_slice %arg3[%mul3A_28] : memref<320000xf32, #tpu.memory_space<hbm>> -> memref<10000xf32, #tpu.memory_space<hbm>>
      tpu.wait_dma2 semaphore(%run_scoped3A : memref<!tpu.dma_semaphore, #tpu.memory_space<semaphore_mem>>) src(%arg5 : memref<10000xf32, #tpu.memory_space<vmem>>) dst(%dma_wait3A_30 : memref<10000xf32, #tpu.memory_space<hbm>>)
      tpu.yield
    }) : () -> ()
    return
  }
}

module attributes {stable_mosaic.version = 14 : i64} {
  func.func @_tc_body(%arg0: i32, %arg1: memref<1000x128xf32, #tpu.memory_space<vmem>>, %arg2: memref<128x128xf32, #tpu.memory_space<vmem>>, %arg3: memref<64x128xf32, #tpu.memory_space<vmem>>, %arg4: memref<1x64xf32, #tpu.memory_space<vmem>>, %arg5: memref<1x64xf32, #tpu.memory_space<vmem>>, %arg6: memref<1x1xf32, #tpu.memory_space<vmem>>, %arg7: memref<1x128xf32, #tpu.memory_space<vmem>>, %arg8: memref<1000x32xf32, #tpu.memory_space<vmem>>, %arg9: memref<1000x128xf32, #tpu.memory_space<vmem>>) attributes {dimension_semantics = [#tpu.dimension_semantics<arbitrary>], iteration_bounds = array<i64: 10>, scalar_prefetch = 0 : i64, scratch_operands = 0 : i64, tpu.core_type = #tpu.core_type<tc>, window_params = [{transform_indices = @transform_0, window_bounds = array<i64: 1000, 128>}, {pipeline_mode = #tpu.pipeline_mode<synchronous>, transform_indices = @transform_1, window_bounds = array<i64: 128, 128>}, {pipeline_mode = #tpu.pipeline_mode<synchronous>, transform_indices = @transform_2, window_bounds = array<i64: 64, 128>}, {pipeline_mode = #tpu.pipeline_mode<synchronous>, transform_indices = @transform_3, window_bounds = array<i64: 1, 64>}, {pipeline_mode = #tpu.pipeline_mode<synchronous>, transform_indices = @transform_4, window_bounds = array<i64: 1, 64>}, {pipeline_mode = #tpu.pipeline_mode<synchronous>, transform_indices = @transform_5, window_bounds = array<i64: 1, 1>}, {pipeline_mode = #tpu.pipeline_mode<synchronous>, transform_indices = @transform_6, window_bounds = array<i64: 1, 128>}, {transform_indices = @transform_7, window_bounds = array<i64: 1000, 32>}, {transform_indices = @transform_8, window_bounds = array<i64: 1000, 128>}]} {
    %get3A = arith.constant 0 : index
    %get3A_0 = arith.constant 0 : index
    %get3A_1 = vector.load %arg1[%get3A, %get3A_0] : memref<1000x128xf32, #tpu.memory_space<vmem>>, vector<1000x128xf32>
    %get3A_2 = arith.constant 0 : index
    %get3A_3 = arith.constant 0 : index
    %get3A_4 = vector.load %arg2[%get3A_2, %get3A_3] : memref<128x128xf32, #tpu.memory_space<vmem>>, vector<128x128xf32>
    %dot_general3A = arith.constant dense<0.000000e+00> : vector<1000x128xf32>
    %dot_general3A_5 = tpu.matmul %get3A_1, %get3A_4, %dot_general3A {dimension_numbers = #tpu.dot_dimension_numbers<[1], [1], [0], [0], [0, 0, 1, 0], [], []>, transpose_lhs_hint = false} : vector<1000x128xf32>, vector<128x128xf32>, vector<1000x128xf32> -> vector<1000x128xf32>
    %get3A_6 = arith.constant 0 : index
    %get3A_7 = arith.constant 0 : index
    %get3A_8 = vector.load %arg3[%get3A_6, %get3A_7] : memref<64x128xf32, #tpu.memory_space<vmem>>, vector<64x128xf32>
    %dot_general3A_9 = arith.constant dense<0.000000e+00> : vector<1000x64xf32>
    %dot_general3A_10 = tpu.matmul %dot_general3A_5, %get3A_8, %dot_general3A_9 {dimension_numbers = #tpu.dot_dimension_numbers<[1], [1], [0], [0], [0, 0, 1, 0], [], []>, transpose_lhs_hint = false} : vector<1000x128xf32>, vector<64x128xf32>, vector<1000x64xf32> -> vector<1000x64xf32>
    %get3A_11 = arith.constant 0 : index
    %get3A_12 = arith.constant 0 : index
    %get3A_13 = vector.load %arg4[%get3A_11, %get3A_12] : memref<1x64xf32, #tpu.memory_space<vmem>>, vector<1x64xf32>
    %add3A = vector.broadcast %get3A_13 : vector<1x64xf32> to vector<1000x64xf32>
    %add3A_14 = arith.addf %dot_general3A_10, %add3A : vector<1000x64xf32>
    %mul3A = arith.constant 5.000000e-01 : f32
    %mul3A_15 = vector.broadcast %mul3A : f32 to vector<1000x64xf32>
    %mul3A_16 = arith.mulf %mul3A_15, %add3A_14 : vector<1000x64xf32>
    %mul3A_17 = arith.constant 0.707106769 : f32
    %mul3A_18 = vector.broadcast %mul3A_17 : f32 to vector<1000x64xf32>
    %mul3A_19 = arith.mulf %add3A_14, %mul3A_18 : vector<1000x64xf32>
    %erf3A = math.erf %mul3A_19 : vector<1000x64xf32>
    %add3A_20 = arith.constant 1.000000e+00 : f32
    %add3A_21 = vector.broadcast %add3A_20 : f32 to vector<1000x64xf32>
    %add3A_22 = arith.addf %add3A_21, %erf3A : vector<1000x64xf32>
    %mul3A_23 = arith.mulf %mul3A_16, %add3A_22 : vector<1000x64xf32>
    %get3A_24 = arith.constant 0 : index
    %get3A_25 = arith.constant 0 : index
    %get3A_26 = vector.load %arg5[%get3A_24, %get3A_25] : memref<1x64xf32, #tpu.memory_space<vmem>>, vector<1x64xf32>
    %mul3A_27 = vector.broadcast %get3A_26 : vector<1x64xf32> to vector<1000x64xf32>
    %mul3A_28 = arith.mulf %mul3A_23, %mul3A_27 : vector<1000x64xf32>
    %reduce_sum3A = arith.constant dense<0.000000e+00> : vector<1000xf32>
    %reduce_sum3A_29 = vector.multi_reduction <add>, %mul3A_28, %reduce_sum3A [1] : vector<1000x64xf32> to vector<1000xf32>
    %broadcast_in_dim3A = vector.shape_cast %reduce_sum3A_29 : vector<1000xf32> to vector<1000x1xf32>
    %get3A_30 = arith.constant 0 : index
    %get3A_31 = arith.constant 0 : index
    %get3A_32 = vector.load %arg6[%get3A_30, %get3A_31] : memref<1x1xf32, #tpu.memory_space<vmem>>, vector<1x1xf32>
    %get3A_33 = vector.extract %get3A_32[0, 0] : f32 from vector<1x1xf32>
    %add3A_34 = vector.broadcast %get3A_33 : f32 to vector<1000x1xf32>
    %add3A_35 = arith.addf %broadcast_in_dim3A, %add3A_34 : vector<1000x1xf32>
    %logistic3A = arith.negf %add3A_35 : vector<1000x1xf32>
    %logistic3A_36 = math.exp %logistic3A : vector<1000x1xf32>
    %logistic3A_37 = arith.constant 1.000000e+00 : f32
    %logistic3A_38 = vector.broadcast %logistic3A_37 : f32 to vector<1000x1xf32>
    %logistic3A_39 = arith.addf %logistic3A_38, %logistic3A_36 : vector<1000x1xf32>
    %logistic3A_40 = arith.divf %logistic3A_38, %logistic3A_39 : vector<1000x1xf32>
    %get3A_41 = arith.constant 0 : index
    %get3A_42 = arith.constant 0 : index
    %get3A_43 = vector.load %arg8[%get3A_41, %get3A_42] : memref<1000x32xf32, #tpu.memory_space<vmem>>, vector<1000x32xf32>
    %reduce_sum3A_44 = arith.constant dense<0.000000e+00> : vector<1000xf32>
    %reduce_sum3A_45 = vector.multi_reduction <add>, %get3A_43, %reduce_sum3A_44 [1] : vector<1000x32xf32> to vector<1000xf32>
    %broadcast_in_dim3A_46 = vector.shape_cast %reduce_sum3A_45 : vector<1000xf32> to vector<1000x1xf32>
    %gt3A = arith.constant 0.000000e+00 : f32
    %gt3A_47 = vector.broadcast %gt3A : f32 to vector<1000x1xf32>
    %gt3A_48 = arith.cmpf ogt, %broadcast_in_dim3A_46, %gt3A_47 : vector<1000x1xf32>
    %add3A_49 = arith.constant 1.000000e+00 : f32
    %add3A_50 = vector.broadcast %add3A_49 : f32 to vector<1000x1xf32>
    %add3A_51 = arith.addf %add3A_50, %logistic3A_40 : vector<1000x1xf32>
    %jit3A = arith.constant 0.000000e+00 : f32
    %broadcast_in_dim3A_52 = vector.broadcast %jit3A : f32 to vector<1000x1xf32>
    %select_n3A = arith.select %gt3A_48, %add3A_51, %broadcast_in_dim3A_52 : vector<1000x1xi1>, vector<1000x1xf32>
    %mul3A_53 = vector.broadcast %select_n3A : vector<1000x1xf32> to vector<1000x128xf32>
    %mul3A_54 = arith.mulf %dot_general3A_5, %mul3A_53 : vector<1000x128xf32>
    %get3A_55 = arith.constant 0 : index
    %get3A_56 = arith.constant 0 : index
    %get3A_57 = vector.load %arg7[%get3A_55, %get3A_56] : memref<1x128xf32, #tpu.memory_space<vmem>>, vector<1x128xf32>
    %add3A_58 = vector.broadcast %get3A_57 : vector<1x128xf32> to vector<1000x128xf32>
    %add3A_59 = arith.addf %mul3A_54, %add3A_58 : vector<1000x128xf32>
    %swap3A = arith.constant 0 : index
    %swap3A_60 = arith.constant 0 : index
    %swap3A_61 = vector.load %arg9[%swap3A, %swap3A_60] : memref<1000x128xf32, #tpu.memory_space<vmem>>, vector<1000x128xf32>
    tpu.vector_store %arg9[%swap3A, %swap3A_60], %add3A_59 {strides = array<i32>} : memref<1000x128xf32, #tpu.memory_space<vmem>>, vector<1000x128xf32>,
    return
  }
  func.func @transform_0(%arg0: i32) -> (i32, i32) {
    %c0_i32 = arith.constant 0 : i32
    %c0_i32_0 = arith.constant 0 : i32
    return %arg0, %c0_i32 : i32, i32
  }
  func.func @transform_1(%arg0: i32) -> (i32, i32) {
    %c0_i32 = arith.constant 0 : i32
    %c0_i32_0 = arith.constant 0 : i32
    %c0_i32_1 = arith.constant 0 : i32
    return %c0_i32, %c0_i32_0 : i32, i32
  }
  func.func @transform_2(%arg0: i32) -> (i32, i32) {
    %c0_i32 = arith.constant 0 : i32
    %c0_i32_0 = arith.constant 0 : i32
    %c0_i32_1 = arith.constant 0 : i32
    return %c0_i32, %c0_i32_0 : i32, i32
  }
  func.func @transform_3(%arg0: i32) -> (i32, i32) {
    %c0_i32 = arith.constant 0 : i32
    %c0_i32_0 = arith.constant 0 : i32
    %c0_i32_1 = arith.constant 0 : i32
    return %c0_i32, %c0_i32_0 : i32, i32
  }
  func.func @transform_4(%arg0: i32) -> (i32, i32) {
    %c0_i32 = arith.constant 0 : i32
    %c0_i32_0 = arith.constant 0 : i32
    %c0_i32_1 = arith.constant 0 : i32
    return %c0_i32, %c0_i32_0 : i32, i32
  }
  func.func @transform_5(%arg0: i32) -> (i32, i32) {
    %c0_i32 = arith.constant 0 : i32
    %c0_i32_0 = arith.constant 0 : i32
    %c0_i32_1 = arith.constant 0 : i32
    return %c0_i32, %c0_i32_0 : i32, i32
  }
  func.func @transform_6(%arg0: i32) -> (i32, i32) {
    %c0_i32 = arith.constant 0 : i32
    %c0_i32_0 = arith.constant 0 : i32
    %c0_i32_1 = arith.constant 0 : i32
    return %c0_i32, %c0_i32_0 : i32, i32
  }
  func.func @transform_7(%arg0: i32) -> (i32, i32) {
    %c0_i32 = arith.constant 0 : i32
    %c0_i32_0 = arith.constant 0 : i32
    return %arg0, %c0_i32 : i32, i32
  }
  func.func @transform_8(%arg0: i32) -> (i32, i32) {
    %c0_i32 = arith.constant 0 : i32
    %c0_i32_0 = arith.constant 0 : i32
    return %arg0, %c0_i32 : i32, i32
  }
}

</mosaic_0001>

<sc_bundles>
// kernel: kernel.4.cloned.1.call-start
scs
__scs_entry_jumppad:
0x0: {  	(pc) =	sbr.rel $0x88, $3  }
0x1: {  	(tag) =	ssettag $0x0;
	lr =	simm.s32 $0x1  }
0x2: {  	[smem:$0x3F99] =	sst lr;
	_ =	strace $0xD0000000  }
0x3: {  	_ = 	snop  }
0x4: {  	_ = 	snop  }
0x5: {  	_ = 	snop  }
0x6: {  	_ = 	snop  }
0x7: {  	_ = 	snop  }
__scs_overlays_trampoline_lowered:
0x8: {  	[smem:$0x3FA8] =	sst s0  }
0x9: {  	[smem:$0x3FA9] =	sst s1  }
0xa: {  	[smem:$0x3FAA] =	sst s2  }
0xb: {  	[smem:$0x3FAB] =	sst s3  }
0xc: {  	[smem:$0x3FAC] =	sst s4  }
0xd: {  	[smem:$0x3FAD] =	sst s5  }
0xe: {  	[smem:$0x3FAE] =	sst s6  }
0xf: {  	[smem:$0x3FAF] =	sst s7  }
0x10: {  	[smem:$0x3FB0] =	sst s8  }
0x11: {  	[smem:$0x3FB1] =	sst s9;
	s0 =	simm.s32 @!p0 $0x0  }
0x12: {  	s1 =	sld [smem:$0x3F97];
	s0 =	simm.s32 @p0 $0x1  }
0x13: {  	[smem:$0x3FB2] =	sst s0;
	s0 =	simm.s32 @!p1 $0x0  }
0x14: {  	s2 =	sld [smem:$0x3F96];
	s0 =	simm.s32 @p1 $0x1  }
0x15: {  	[smem:$0x3FB3] =	sst s0;
	s0 =	simm.s32 @!p2 $0x0  }
0x16: {  	s3 =	sld [smem:$0x3FDB];
	s0 =	simm.s32 @p2 $0x1  }
0x17: {  	s4 =	simm.s32 $0x1BF5;
	[smem:$0x3FB5] =	sst s0  }
0x18: {  	s0 =	sld [smem:$0x3F98];
	_ =	swait.ge [sflag:s4], $0x0  }
0x19: {  	s7 =	sld [smem:$0x3F99]  }
0x1a: {  	s8 =	sadd.s32 $0xFFFFE003, lr  }
0x1b: {  	s9 =	sadd.s32 $0xFFFFFEF7, lr;
	s5 =	simm.s32 $0xFFFFFFFF;
	p2 =	slt.u32 s8, $0xFFFFF086  }
0x1c: {  	p1 =	slt.u32 s9, $0xF7A;
	s5 =	simm.s32 @!p2 $0x0  }
0x1d: {  	s5 =	simm.s32 @p1 $0x1;
	p0 =	seq.s32 s7, s2  }
0x1e: {  	s7 =	smul.u32 @!p0 $0xF7A, s2;
	p2 =	seq.s32 @!p0 s5, $0x0  }
0x1f: {  	s9 =	smul.u32 $0xF7A, s1;
	s8 =	simm.s32 @!p0 $0x1BF5;
	p2 =	por !p2, p0  }
0x20: {  	[sflag:s8] =	ssyncset.s32 @!p0 $0xFFFFF086;
	s6 =	sadd.s32 @!p0 s3, s7;
	s7 =	simm.s32 @!p0 $0x108  }
0x21: {  	s3 =	sadd.s32 s3, s9;
	s6 =	sadd.s32 @!p0 $0x88, s6;
	s7 =	simm.s32 @p2 $0x1082  }
0x22: {  	[simem:s7], [sflag:s8] =	dma.local @!p0 [hbm:s6], $0xF7A  }
0x23: {  	s9 =	sor.u32 $0xD0000000, s2;
	s6 =	simm.s32 $0x108;
	_ =	swait.ge @!p0 [sflag:s8], $0x0  }
0x24: {  	s3 =	sadd.s32 $0x88, s3;
	s6 =	simm.s32 @!p1 $0x1082;
	[sflag:s4] =	ssyncset.s32 $0xFFFFF086  }
0x25: {  	[simem:s6], [sflag:s4] =	dma.local [hbm:s3], $0xF7A  }
0x26: {  	[smem:$0x3F99] =	sst s1;
	(tag) =	ssettag s2;
	_ =	strace s9  }
0x27: {  	s1 =	sld [smem:$0x3FA9]  }
0x28: {  	s2 =	sld [smem:$0x3FAA]  }
0x29: {  	s4 =	sld [smem:$0x3FAC]  }
0x2a: {  	p0 =	seq.s32 s5, $0x0;
	s5 =	sld [smem:$0x3FAD]  }
0x2b: {  	s6 =	sld [smem:$0x3FAE]  }
0x2c: {  	s7 =	sld [smem:$0x3FAF]  }
0x2d: {  	s3 =	simm.s32 $0x108;
	s8 =	sld [smem:$0x3FB0]  }
0x2e: {  	s3 =	simm.s32 @!p0 $0x1082;
	s9 =	sld [smem:$0x3FB1]  }
0x2f: {  	lr =	sadd.s32 s0, s3;
	s0 =	sld [smem:$0x3FA8]  }
0x30: {  	s3 =	sld [smem:$0x3FAB]  }
0x31: {  	[smem:$0x3FB4] =	sst s10  }
0x32: {  	s10 =	sld [smem:$0x3FB2];
	_ =	sdelay $0x3  }
0x33: {  	p0 =	seq.s32 s10, $0x1;
	s10 =	sld [smem:$0x3FB4];
	_ =	sdelay $0x3  }
0x34: {  	[smem:$0x3FB4] =	sst s10  }
0x35: {  	s10 =	sld [smem:$0x3FB3];
	_ =	sdelay $0x3  }
0x36: {  	p1 =	seq.s32 s10, $0x1;
	s10 =	sld [smem:$0x3FB4];
	_ =	sdelay $0x3  }
0x37: {  	[smem:$0x3FB4] =	sst s10  }
0x38: {  	s10 =	sld [smem:$0x3FB5]  }
0x39: {  	_ = 	snop;
	(pc) =	sbr.ind lr, $3  }
0x3a: {  	_ = 	snop  }
0x3b: {  	_ = 	snop  }
0x3c: {  	p2 =	seq.s32 s10, $0x1;
	s10 =	sld [smem:$0x3FB4]  }
0x3d: {  	_ =	shalt  }
0x3e: {  	_ =	shalt  }
0x3f: {  	_ =	shalt  }
0x40: {  	_ =	shalt  }
0x41: {  	_ =	shalt  }
0x42: {  	_ =	shalt  }
0x43: {  	_ =	shalt  }
0x44: {  	_ =	shalt  }
0x45: {  	_ =	shalt  }
0x46: {  	_ =	shalt  }
0x47: {  	_ =	shalt  }
0x48: {  	_ =	shalt  }
0x49: {  	_ =	shalt  }
0x4a: {  	_ =	shalt  }
0x4b: {  	_ =	shalt  }
0x4c: {  	_ =	shalt  }
0x4d: {  	_ =	shalt  }
0x4e: {  	_ =	shalt  }
0x4f: {  	_ =	shalt  }
0x50: {  	_ =	shalt  }
0x51: {  	_ =	shalt  }
0x52: {  	_ =	shalt  }
0x53: {  	_ =	shalt  }
0x54: {  	_ =	shalt  }
0x55: {  	_ =	shalt  }
0x56: {  	_ =	shalt  }
0x57: {  	_ =	shalt  }
0x58: {  	_ =	shalt  }
0x59: {  	_ =	shalt  }
0x5a: {  	_ =	shalt  }
0x5b: {  	_ =	shalt  }
0x5c: {  	_ =	shalt  }
0x5d: {  	_ =	shalt  }
0x5e: {  	_ =	shalt  }
0x5f: {  	_ =	shalt  }
0x60: {  	_ =	shalt  }
0x61: {  	_ =	shalt  }
0x62: {  	_ =	shalt  }
0x63: {  	_ =	shalt  }
0x64: {  	_ =	shalt  }
0x65: {  	_ =	shalt  }
0x66: {  	_ =	shalt  }
0x67: {  	_ =	shalt  }
0x68: {  	_ =	shalt  }
0x69: {  	_ =	shalt  }
0x6a: {  	_ =	shalt  }
0x6b: {  	_ =	shalt  }
0x6c: {  	_ =	shalt  }
0x6d: {  	_ =	shalt  }
0x6e: {  	_ =	shalt  }
0x6f: {  	_ =	shalt  }
0x70: {  	_ =	shalt  }
0x71: {  	_ =	shalt  }
0x72: {  	_ =	shalt  }
0x73: {  	_ =	shalt  }
0x74: {  	_ =	shalt  }
0x75: {  	_ =	shalt  }
0x76: {  	_ =	shalt  }
0x77: {  	_ =	shalt  }
0x78: {  	_ =	shalt  }
0x79: {  	_ =	shalt  }
0x7a: {  	_ =	shalt  }
0x7b: {  	_ =	shalt  }
0x7c: {  	_ =	shalt  }
0x7d: {  	_ =	shalt  }
0x7e: {  	_ =	shalt  }
0x7f: {  	_ =	shalt  }
0x80: {  	_ =	shalt  }
0x81: {  	_ =	shalt  }
0x82: {  	_ =	shalt  }
0x83: {  	_ =	shalt  }
0x84: {  	_ =	shalt  }
0x85: {  	_ =	shalt  }
0x86: {  	_ =	shalt  }
0x87: {  	_ =	shalt  }
.Lfunc_end0:
.L_simem_size_0:
called_computation_lowered:
.L_overlay_start_0:
0x88: {  	s2 =	sld [smem:$0x3FD9]  }
0x89: {  	s3 =	sld [smem:$0x3FFE];
	_ =	sdelay $0x1  }
0x8a: {  	s1 =	srdreg.scid  }
0x8b: {  	s0 =	sand.u32 $0x1, s1  }
0x8c: {  	s17 =	sshll.u32 s0, $0xA;
	s2 =	sadd.s32 s3, s2  }
0x8d: {  	s2 =	sadd.s32 s2, s17  }
0x8e: {  	[smem:$0x3FC0] =	sst s2  }
0x8f: {  	_ = 	snop  }
0x90: {  	s2 =	sld [smem:$0x3FD0];
	(tm) =	ssettm $0x1  }
0x91: {  	s18 =	sld [smem:$0x3FFB];
	_ =	sdelay $0x3  }
0x92: {  	_ =	strace s18  }
0x93: {  	s3 =	sld [smem:$0x3FFC];
	_ =	sdelay $0x3  }
0x94: {  	_ =	strace s3  }
0x95: {  	s3 =	sld [smem:$0x3FFD];
	_ =	sdelay $0x3  }
0x96: {  	_ =	strace s3  }
0x97: {  	_ =	strace $0x8FFFFFFF  }
0x98: {  	s19 =	sld [smem:$0x3FDB];
	_ =	sdelay $0x1  }
0x99: {  	s4 =	simm.s32 $_scs_section_size  }
0x9a: {  	s5 =	simm.s32 $_size__tile_overlayer_lowered;
	s6 =	simm.s32 $_tile_overlayer_lowered  }
0x9b: {  	s22 =	simm.s32 $0x1BFF;
	s21 =	sshll.u32 s6, $0x1;
	s3 =	sadd.s32 s4, s19  }
0x9c: {  	s7 =	simm.s32 $0x0;
	s20 =	sshll.u32 s5, $0x1;
	s5 =	sadd.s32 s21, s3  }
0x9d: {  	[timem:s7], [sflag:s22] =	dma.local [hbm:s5], s20  }
0x9e: {  	_ =	swait.ge [sflag:s22], s20  }
0x9f: {  	s4 =	ssub.s32 $0x0, s20;
	[sflag:s22] =	ssyncset.done $0x0  }
0xa0: {  	[sflag:s22] =	ssyncadd.s32 s4;
	_ =	sdelay $0x1  }
0xa1: {  	s23 =	simm.s32 $0x1B8B  }
0xa2: {  	_ =	swait.ge [sflag:s23], $0x1  }
0xa3: {  	[sflag:s23] =	ssyncset.done $0x0  }
0xa4: {  	s25 =	simm.s32 $0x1B8E;
	s24 =	sld [smem:$0x3FFE];
	[sflag:s23] =	ssyncadd.s32 $0xFFFFFFFF  }
0xa5: {  	s26 =	simm.s32 $execute0_lowered;
	[smem:$0x3FD2] =	sst s25  }
0xa6: {  	s5 =	sshll.u32 s26, $0x1;
	_ =	strace $0x80000046;
	[dreg:$0x1] =	wrdreg $0xFFFFFFFF  }
0xa7: {  	s28 =	simm.s32 $_size_execute0_lowered;
	s3 =	sadd.s32 s3, s5;
	[dreg:$0x0] =	wrdreg $0x0  }
0xa8: {  	s5 =	sshll.u32 s28, $0x1;
	[dreg:$0x2] =	wrdreg s3  }
0xa9: {  	[dreg:$0x3] =	wrdreg s5  }
0xaa: {  	[dreg:$0x4] =	wrdreg $0xC0  }
0xab: {  	_ =	task [dreg:s7], $0x5FFFF  }
0xac: {  	[dreg:$0x1] =	wrdreg $0xFFFFFFFF  }
0xad: {  	[dreg:$0x0] =	wrdreg $0x60  }
0xae: {  	[dreg:$0x2] =	wrdreg s2  }
0xaf: {  	[dreg:$0x3] =	wrdreg s24  }
0xb0: {  	[dreg:$0x4] =	wrdreg $0x9  }
0xb1: {  	_ =	task.clear_ibuf [dreg:s7], $0x5FFFF;
	_ =	strace $0x90000046  }
0xb2: {  	s29 =	simm.s32 $0x9;
	_ =	strace $0x80000048  }
0xb3: {  	_ =	swait.ge [sflag:s29], $0x1  }
0xb4: {  	[sflag:s29] =	ssyncadd.s32 $0xFFFFFFFF  }
0xb5: {  	_ =	strace $0x90000048  }
0xb6: {  	_ =	sfence  }
0xb7: {  	s30 =	sld [smem:$0x0];
	_ =	sdelay $0x2  }
0xb8: {  	s31 =	sshll.u32 s1, $0xD;
	s1 =	sshrl.u32 s1, $0x2  }
0xb9: {  	s3 =	sand.u32 $0x4000, s31;
	s1 =	sadd.s32 s1, s30  }
0xba: {  	s0 =	sor.u32 s3, s0;
	s1 =	sshll.u32 s1, $0x11  }
0xbb: {  	s0 =	sor.u32 s1, s0  }
0xbc: {  	s0 =	sadd.s32 $0x8F2B, s0  }
0xbd: {  	[sflag:s0] =	ssyncadd.remote.s32 $0x1  }
0xbe: {  	_ =	sfence.sel $0xFFFF  }
0xbf: {  	[dreg:$0x0] =	wrdreg $0xFFFFFFFF;
	(pc) =	sbr.abs _section_cstart, $3  }
0xc0: {  	[dreg:$0x1] =	wrdreg $0xFFFFFFFF  }
0xc1: {  	_ =	task.clear_ibuf [dreg:s7], $0x2FFFF;
	_ =	strace $0x9FFFFFFF  }
0xc2: {  	(tm) =	ssettm $0x7FFFFFFF  }
0xc3: {  	_ =	shalt  }
tec
execute0_lowered:
.L_overlay_start_1:
0x0: {  	(tag) =	ssettag $0x1  }
0x1: {  	s3 =	rddreg [dreg:$0x0];
	s1 =	srdreg.scid  }
0x2: {  	s0 =	stileid.u32;
	s4 =	rddreg [dreg:$0x1]  }
0x3: {  	s8 =	simm.s32 $0x0;
	s5 =	sand.u32 $0x1, s1;
	s2 =	sshll.u32 s0, $0x1  }
0x4: {  	s6 =	sor.u32 s5, s2;
	s2 =	simm.s32 $0x0;
	s5 =	ssub.s32 $0x2, s5  }
0x5: {  	s6 =	smul.u32 $0x4E2, s6;
	[smem:$0x7FF] =	sst s2;
	s7 =	sshrl.u32 s5, $0x1  }
0x6: {  	s1 =	rddreg [dreg:$0x2];
	_ =	strace $0x80000047;
	s5 =	ssub.s32 s5, s7  }
0x7: {  	s7 =	simm.s32 $0x2780;
	s4 =	sadd.s32 s6, s4;
	s3 =	sadd.s32 s3, s6  }
0x8: {  	v0 =	vimm.f32 $0.0e+00;
	v1 =	vimm.f32 $1.000000000e+00;
	s5 =	smax.u32 s5, $0x1;
	s6 =	simm.s32 $0x1;
	s4 =	sadd.s32 $0x1200, s4  }
.LBB2_1:
0x9: {  	s9 =	simm.s32 $0x27A0  }
0xa: {  	[tilespmem:s9+$0xFFFFFFE0] =	vst v0  }
0xb: {  	[tilespmem:s9+$0x10] =	vst v0  }
0xc: {  	s10 =	simm.s32 $0x0;
	[tilespmem:s9+$0x0] =	vst v0  }
.LBB2_2:
0xd: {  	s10 =	sadd.s32 $0x4, s10  }
0xe: {  	[tilespmem:s9+$0xFFFFFFF0] =	vst v0;
	s9 =	sadd.s32 $0x40, s9;
	p0 =	slt.u32 s10, $0x26C  }
.Ltmp0:
0xf: {  	[tilespmem:s9+$0xFFFFFFE0] =	vst v0;
	(pc) =	sbr.rel @p0 .LBB2_2-.Ltmp0, $3  }
0x10: {  	_ =	sdelay $0x1  }
0x11: {  	[tilespmem:s9+$0x10] =	vst v0  }
0x12: {  	[tilespmem:s9+$0x0] =	vst v0  }
0x13: {  	[tilespmem:s9+$0xFFFFFFF0] =	vst v0  }
0x14: {  	[tilespmem:$0x4E80] =	vst v0  }
0x15: {  	[tilespmem:s2], [sflag:$0x1] =	stream.linear.gather [hbm4b:s3+s2], $0x2710, $0x38;
	[tilespmem:$0x4F00] =	vst v63  }
0x16: {  	_ =	swait.ge [sflag:s6], $0x2710  }
0x17: {  	[sflag:s6] =	ssyncset.done $0x0  }
0x18: {  	s9 =	simm.s32 $0xFFFFFFFC;
	s10 =	simm.s32 $0x20;
	[sflag:s6] =	ssyncadd.s32 $0xFFFFD8F0  }
.LBB2_4:
0x19: {  	v2 =	vld [tilespmem:s10+$0xFFFFFFE0];
	_ =	sdelay $0x7  }
0x1a: {  	[tilespmem:v2+s7+$0x0] =	vst.idx.msk $0xffff, v1  }
0x1b: {  	v2 =	vld [tilespmem:s10+$0xFFFFFFF0];
	_ =	sdelay $0x7  }
0x1c: {  	[tilespmem:v2+s7+$0x0] =	vst.idx.msk $0xffff, v1  }
0x1d: {  	v2 =	vld [tilespmem:s10+$0x0];
	_ =	sdelay $0x7  }
0x1e: {  	[tilespmem:v2+s7+$0x0] =	vst.idx.msk $0xffff, v1  }
0x1f: {  	v2 =	vld [tilespmem:s10+$0x10];
	_ =	sdelay $0x1  }
0x20: {  	s9 =	sadd.s32 $0x4, s9  }
0x21: {  	p0 =	slt.u32 s9, $0x26C  }
.Ltmp1:
0x22: {  	_ = 	snop;
	(pc) =	sbr.rel @p0 .LBB2_4-.Ltmp1, $2  }
0x23: {  	_ =	sdelay $0x2  }
0x24: {  	s10 =	sadd.s32 $0x40, s10;
	[tilespmem:v2+s7+$0x0] =	vst.idx.msk $0xffff, v1  }
0x25: {  	v2 =	vld [tilespmem:$0x2700];
	_ =	sdelay $0x5  }
0x26: {  	s8 =	sadd.s32 $0x1, s8  }
0x27: {  	p0 =	sne.s32 s8, s5  }
.Ltmp2:
0x28: {  	[tilespmem:v2+s7+$0x0] =	vst.idx.msk $0xffff, v1;
	(pc) =	sbr.rel @p0 .LBB2_1-.Ltmp2, $4  }
0x29: {  	[hbm4b:s4+s2] =	stream.linear.scatter [tilespmem:s7], [sflag:$0x1], $0x2710, $0x38;
	[tilespmem:$0x4F00] =	vst v63  }
0x2a: {  	_ =	swait.ge [sflag:s6], $0x2710  }
0x2b: {  	[sflag:s6] =	ssyncset.done $0x0  }
0x2c: {  	[sflag:s6] =	ssyncadd.s32 $0xFFFFD8F0  }
0x2d: {  	_ =	sfence.sel $0x180000  }
0x2e: {  	[bflag:$0x0] =	sbarrier.arrive $0xFFFF  }
0x2f: {  	p0 =	sne.s32 s0, $0x0;
	_ =	strace $0x90000047  }
0x30: {  	s0 =	sadd.s32 @!p0 $0x100000, s1;
	[bflag:$0x2] =	sbarrier.arrive $0xFFFF  }
0x31: {  	[sflag:s0] =	ssyncadd.tile.s32 @!p0 $0x1;
	_ =	shalt  }
.Lfunc_end2:
_tile_overlayer_lowered:
.L_overlay_start_2:
0x32: {  	(tag) =	ssettag $0x2  }
0x33: {  	s0 =	rddreg [dreg:$0x0];
	s2 =	stileid.u32  }
0x34: {  	s1 =	rddreg [dreg:$0x1];
	p0 =	sne.s32 s2, $0x0  }
0x35: {  	s3 =	rddreg [dreg:$0x2];
	[bflag:$0x3] =	sbarrier.arrive $0xFFFF;
	s2 =	simm.s32 @!p0 $0x1C01  }
0x36: {  	[timem:s3], [sflag:s2] =	dma.local @!p0 [hbm:s0], s1  }
0x37: {  	s0 =	simm.s32 @!p0 $0x1  }
0x38: {  	_ =	swait.ge @!p0 [sflag:s0], s1  }
0x39: {  	s1 =	ssub.s32 @!p0 $0x0, s1;
	[sflag:s0] =	ssyncset.done @!p0 $0x0  }
0x3a: {  	[sflag:s0] =	ssyncadd.s32 @!p0 s1  }
0x3b: {  	[bflag:$0x3] =	sbarrier.arrive $0xFFFF  }
0x3c: {  	_ =	shalt  }

</sc_bundles>
